<compile_context>
chip_gen: v7x
topology: tpu7x:2x2x1
jax: 0.10.2.dev20260603
libtpu: 0.0.44.dev20260713+nightly
codegen_flags: <defaults>
</compile_context>

<pallas_src>
import functools

import jax
import jax.numpy as jnp
from jax import lax
from jax.experimental import pallas as pl
from jax.experimental.pallas import tpu as pltpu
from jax.experimental.pallas import tpu_sc as plsc

_B, _T = 1024, 50
_C = 1000
_NC, _NS = 2, 16
_NW = _NC * _NS
_N = _B * _T
_BPW = _N // _NW
_CH = 40
_NCHUNK = _BPW // _CH
_CP = 1024


def _sc_gather_body(table_hbm, idx_hbm, out_hbm, idx_v, rows_v, sem0, sem1):
    wid = lax.axis_index("s") * _NC + lax.axis_index("c")
    base = wid * _BPW
    pltpu.sync_copy(idx_hbm.at[pl.ds(base, _BPW)], idx_v)
    sems = (sem0, sem1)

    def start(c, buf):
        pltpu.async_copy(
            table_hbm.at[idx_v.at[pl.ds(c * _CH, _CH)]], rows_v.at[buf], sems[buf]
        )

    def step(c, buf):
        @pl.when(c + 1 < _NCHUNK)
        def _():
            start(c + 1, 1 - buf)

        pltpu.make_async_copy(
            table_hbm.at[idx_v.at[pl.ds(c * _CH, _CH)]], rows_v.at[buf], sems[buf]
        ).wait()
        pltpu.sync_copy(rows_v.at[buf], out_hbm.at[pl.ds(base + c * _CH, _CH)])

    start(0, 0)

    def chunk(c, carry):
        @pl.when(lax.rem(c, 2) == 0)
        def _():
            step(c, 0)

        @pl.when(lax.rem(c, 2) == 1)
        def _():
            step(c, 1)

        return carry

    lax.fori_loop(0, _NCHUNK, chunk, 0)


@functools.cache
def _sc_gather():
    mesh = plsc.VectorSubcoreMesh(
        core_axis_name="c", subcore_axis_name="s", num_cores=_NC, num_subcores=_NS
    )
    return pl.kernel(
        _sc_gather_body,
        out_type=jax.ShapeDtypeStruct((_N, _CP), jnp.float32),
        mesh=mesh,
        scratch_types=[
            pltpu.VMEM((_BPW,), jnp.int32),
            pltpu.VMEM((2, _CH, _CP), jnp.float32),
            pltpu.SemaphoreType.DMA,
            pltpu.SemaphoreType.DMA,
        ],
    )


_BLK = 1024
_NBLK = _N // _BLK


def _loss_body(tgt_ref, logits_ref, out_ref, loss_ref, acc_ref):
    i = pl.program_id(0)

    @pl.when(i == 0)
    def _():
        acc_ref[0] = 0.0

    x = logits_ref[...]
    valid = lax.broadcasted_iota(jnp.int32, (_BLK, _CP), 1) < _C
    xm = jnp.where(valid, x, -jnp.inf)
    m = jnp.max(xm, axis=1, keepdims=True)
    lse = m[:, 0] + jnp.log(jnp.sum(jnp.exp(xm - m), axis=1))
    tgt = tgt_ref[0, 0, :]
    cols = lax.broadcasted_iota(jnp.int32, (_BLK, _CP), 1)
    picked = jnp.sum(jnp.where(cols == tgt[:, None], x, 0.0), axis=1)
    acc_ref[0] += jnp.sum(lse - picked)

    out_ref[0] = jnp.transpose(x)[: _C, :]

    @pl.when(i == _NBLK - 1)
    def _():
        loss_ref[0, 0] = acc_ref[0] / _N


_tc_loss = pl.pallas_call(
    _loss_body,
    grid=(_NBLK,),
    in_specs=[
        pl.BlockSpec((1, 1, _BLK), lambda i: (i, 0, 0)),
        pl.BlockSpec((_BLK, _CP), lambda i: (i, 0)),
    ],
    out_specs=[
        pl.BlockSpec((1, _C, _BLK), lambda i: (i, 0, 0)),
        pl.BlockSpec((1, 1), lambda i: (0, 0), memory_space=pltpu.SMEM),
    ],
    out_shape=[
        jax.ShapeDtypeStruct((_T, _C, _B), jnp.float32),
        jax.ShapeDtypeStruct((1, 1), jnp.float32),
    ],
    scratch_shapes=[pltpu.SMEM((1,), jnp.float32)],
)


@jax.jit
def kernel(idx, targets, table):
    idx_tm = idx.T.reshape(-1).astype(jnp.int32)
    tgt_tm = targets.T.reshape(_NBLK, 1, _BLK).astype(jnp.int32)
    table_p = jnp.pad(table, ((0, 0), (0, _CP - _C)))
    logits_tm = _sc_gather()(table_p, idx_tm)
    logits_tvb, loss = _tc_loss(tgt_tm, logits_tm)
    return jnp.transpose(logits_tvb, (2, 0, 1)), loss[0, 0]

# --- scband reference (transcript-rebuilt; emitter-appended) ---
"""Pipeline reference for scband-bigram-language-model-17471926960285 (READ-ONLY COPY).

The authoritative reference and input builder live on the scoring server;
editing this copy changes nothing except your own understanding.
"""

import jax, jax.numpy as jnp
import numpy as np

VOCAB = 1000
B, T = 1024, 50


def setup_inputs(seed: int = 0) -> dict:
    key = jax.random.key(seed)
    k1, k2, k3 = jax.random.split(key, 3)
    idx = jax.random.randint(k1, (B, T), 0, VOCAB)
    targets = jax.random.randint(k2, (B, T), 0, VOCAB)
    # learned parameter: nn.Embedding(vocab_size, vocab_size) weight
    table = jax.random.normal(k3, (VOCAB, VOCAB), dtype=jnp.float32) * 0.02
    return {"idx": idx, "targets": targets, "table": table}


def reference(idx, targets, table):
    # logits = self.lookup_table(idx)  -> embedding gather
    logits = jnp.take(table, idx, axis=0)  # [B, T, C]
    Bb, Tt, C = logits.shape
    flat = logits.reshape(Bb * Tt, C)
    tgt = targets.reshape(-1)
    # F.cross_entropy(flat, tgt) with mean reduction
    lse = jax.nn.logsumexp(flat, axis=-1)
    picked = jnp.take_along_axis(flat, tgt[:, None], axis=1)[:, 0]
    loss = jnp.mean(lse - picked)
    return (logits, loss)

if __name__ == "__main__":
    import jax
    _d = setup_inputs()
    print(jax.jit(kernel)(*tuple(_d.values())))

</pallas_src>

<mosaic_0001>
#map = affine_map<(d0, d1) -> (0, 0)>
#map1 = affine_map<(d0, d1) -> (0)>
module attributes {stable_mosaic.version = 14 : i64} {
  func.func @_sc_gather_body(%arg0: i32, %arg1: i32, %arg2: memref<1000x1024xf32, #tpu.memory_space<hbm>>, %arg3: memref<51200xi32, #tpu.memory_space<hbm>>, %arg4: memref<51200x1024xf32, #tpu.memory_space<hbm>>, %arg5: memref<1600xi32, #tpu.memory_space<vmem>>, %arg6: memref<2x40x1024xf32, #tpu.memory_space<vmem>>, %arg7: memref<!tpu.dma_semaphore, #tpu.memory_space<semaphore_mem>>, %arg8: memref<!tpu.dma_semaphore, #tpu.memory_space<semaphore_mem>>) attributes {dimension_semantics = [#tpu.dimension_semantics<core_parallel>, #tpu.dimension_semantics<subcore_parallel>], iteration_bounds = array<i64: 2, 16>, scalar_prefetch = 0 : i64, scratch_operands = 4 : i64, tpu.core_type = #tpu.core_type<sc_vector_subcore>, window_params = [{transform_indices = #map}, {transform_indices = #map1}, {transform_indices = #map}]} {
    %mul3A = arith.constant 2 : i32
    %mul3A_0 = arith.muli %arg1, %mul3A : i32
    %add3A = arith.addi %mul3A_0, %arg0 : i32
    %mul3A_1 = arith.constant 1600 : i32
    %mul3A_2 = arith.muli %add3A, %mul3A_1 : i32
    "tpu.region"() ({
      %run_scoped3A = tpu.sem_alloc : memref<!tpu.dma_semaphore, #tpu.memory_space<semaphore_mem>>
      %dma_start3A_17 = tpu.memref_slice %arg3[%mul3A_2] : memref<51200xi32, #tpu.memory_space<hbm>> -> memref<1600xi32, #tpu.memory_space<hbm>>
      %dma_start3A_18 = tpu.memref_slice %arg3[%mul3A_2] : memref<51200xi32, #tpu.memory_space<hbm>> -> memref<1600xi32, #tpu.memory_space<hbm>>
      tpu.enqueue_dma source(%dma_start3A_18 : memref<1600xi32, #tpu.memory_space<hbm>>) target(%arg5 : memref<1600xi32, #tpu.memory_space<vmem>>) target_semaphore(%run_scoped3A : memref<!tpu.dma_semaphore, #tpu.memory_space<semaphore_mem>>)
      %dma_wait3A = tpu.memref_slice %arg3[%mul3A_2] : memref<51200xi32, #tpu.memory_space<hbm>> -> memref<1600xi32, #tpu.memory_space<hbm>>
      %dma_wait3A_19 = tpu.memref_slice %arg3[%mul3A_2] : memref<51200xi32, #tpu.memory_space<hbm>> -> memref<1600xi32, #tpu.memory_space<hbm>>
      tpu.wait_dma2 semaphore(%run_scoped3A : memref<!tpu.dma_semaphore, #tpu.memory_space<semaphore_mem>>) src(%dma_wait3A_19 : memref<1600xi32, #tpu.memory_space<hbm>>) dst(%arg5 : memref<1600xi32, #tpu.memory_space<vmem>>)
      tpu.yield
    }) : () -> ()
    %dma_start3A = arith.constant 0 : i32
    %dma_start3A_3 = arith.constant 0 : i32
    %dma_start3A_4 = arith.constant 0 : i32
    %dma_start3A_5 = tpu.memref_slice %arg6[%dma_start3A, %dma_start3A_3, %dma_start3A_4] : memref<2x40x1024xf32, #tpu.memory_space<vmem>> -> memref<1x40x1024xf32, #tpu.memory_space<vmem>>
    %dma_start3A_6 = tpu.memref_squeeze %dma_start3A_5 : memref<1x40x1024xf32, #tpu.memory_space<vmem>> -> memref<40x1024xf32, #tpu.memory_space<vmem>>
    %dma_start3A_7 = arith.constant 0 : i32
    %dma_start3A_8 = tpu.memref_slice %arg5[%dma_start3A_7] : memref<1600xi32, #tpu.memory_space<vmem>> -> memref<40xi32, #tpu.memory_space<vmem>>
    %dma_start3A_9 = arith.constant 0 : i32
    %dma_start3A_10 = arith.constant 0 : i32
    %dma_start3A_11 = tpu.memref_slice %arg2[%dma_start3A_9, %dma_start3A_10] : memref<1000x1024xf32, #tpu.memory_space<hbm>> -> memref<1000x1024xf32, #tpu.memory_space<hbm>>
    tpu.enqueue_indirect_dma source(%dma_start3A_11 : memref<1000x1024xf32, #tpu.memory_space<hbm>>) target(%dma_start3A_6 : memref<40x1024xf32, #tpu.memory_space<vmem>>) offsets(%dma_start3A_8 : memref<40xi32, #tpu.memory_space<vmem>>) semaphore(%arg7 : memref<!tpu.dma_semaphore, #tpu.memory_space<semaphore_mem>>)
    %scan3A = arith.constant 0 : i32
    %scan3A_12 = arith.constant 0 : i32
    %scan3A_13 = arith.constant 40 : i32
    %scan3A_14 = arith.addi %scan3A_12, %scan3A_13 : i32
    %scan3A_15 = arith.constant 1 : i32
    scf.for %scan3A_17 = %scan3A_12 to %scan3A_14 step %scan3A_15  : i32 {
      %rem3A = arith.constant 2 : i32
      %rem3A_18 = arith.remsi %scan3A_17, %rem3A : i32
      %eq3A = arith.constant 0 : i32
      %eq3A_19 = arith.cmpi eq, %rem3A_18, %eq3A : i32
      %convert_element_type3A = arith.extui %eq3A_19 : i1 to i32
      %cond3A = arith.constant 0 : i32
      %cond3A_20 = arith.cmpi ne, %convert_element_type3A, %cond3A : i32
      scf.if %cond3A_20 {
        %add3A_28 = arith.constant 1 : i32
        %add3A_29 = arith.addi %scan3A_17, %add3A_28 : i32
        %lt3A = arith.constant 40 : i32
        %lt3A_30 = arith.cmpi slt, %add3A_29, %lt3A : i32
        %convert_element_type3A_31 = arith.extui %lt3A_30 : i1 to i32
        %cond3A_32 = arith.constant 0 : i32
        %cond3A_33 = arith.cmpi ne, %convert_element_type3A_31, %cond3A_32 : i32
        scf.if %cond3A_33 {
          %add3A_47 = arith.constant 1 : i32
          %add3A_48 = arith.addi %scan3A_17, %add3A_47 : i32
          %mul3A_49 = arith.constant 40 : i32
          %mul3A_50 = arith.muli %add3A_48, %mul3A_49 : i32
          %dma_start3A_51 = arith.constant 1 : i32
          %dma_start3A_52 = arith.constant 0 : i32
          %dma_start3A_53 = arith.constant 0 : i32
          %dma_start3A_54 = tpu.memref_slice %arg6[%dma_start3A_51, %dma_start3A_52, %dma_start3A_53] : memref<2x40x1024xf32, #tpu.memory_space<vmem>> -> memref<1x40x1024xf32, #tpu.memory_space<vmem>>
          %dma_start3A_55 = tpu.memref_squeeze %dma_start3A_54 : memref<1x40x1024xf32, #tpu.memory_space<vmem>> -> memref<40x1024xf32, #tpu.memory_space<vmem>>
          %dma_start3A_56 = tpu.memref_slice %arg5[%mul3A_50] : memref<1600xi32, #tpu.memory_space<vmem>> -> memref<40xi32, #tpu.memory_space<vmem>>
          %dma_start3A_57 = arith.constant 0 : i32
          %dma_start3A_58 = arith.constant 0 : i32
          %dma_start3A_59 = tpu.memref_slice %arg2[%dma_start3A_57, %dma_start3A_58] : memref<1000x1024xf32, #tpu.memory_space<hbm>> -> memref<1000x1024xf32, #tpu.memory_space<hbm>>
          tpu.enqueue_indirect_dma source(%dma_start3A_59 : memref<1000x1024xf32, #tpu.memory_space<hbm>>) target(%dma_start3A_55 : memref<40x1024xf32, #tpu.memory_space<vmem>>) offsets(%dma_start3A_56 : memref<40xi32, #tpu.memory_space<vmem>>) semaphore(%arg8 : memref<!tpu.dma_semaphore, #tpu.memory_space<semaphore_mem>>)
        } else {
        }
        %mul3A_34 = arith.constant 40 : i32
        %mul3A_35 = arith.muli %scan3A_17, %mul3A_34 : i32
        %dma_wait3A = arith.constant 0 : i32
        %dma_wait3A_36 = arith.constant 0 : i32
        %dma_wait3A_37 = arith.constant 0 : i32
        %dma_wait3A_38 = tpu.memref_slice %arg6[%dma_wait3A, %dma_wait3A_36, %dma_wait3A_37] : memref<2x40x1024xf32, #tpu.memory_space<vmem>> -> memref<1x40x1024xf32, #tpu.memory_space<vmem>>
        %dma_wait3A_39 = tpu.memref_squeeze %dma_wait3A_38 : memref<1x40x1024xf32, #tpu.memory_space<vmem>> -> memref<40x1024xf32, #tpu.memory_space<vmem>>
        %dma_wait3A_40 = tpu.memref_slice %arg5[%mul3A_35] : memref<1600xi32, #tpu.memory_space<vmem>> -> memref<40xi32, #tpu.memory_space<vmem>>
        %dma_wait3A_41 = arith.constant 0 : i32
        %dma_wait3A_42 = arith.constant 0 : i32
        %dma_wait3A_43 = tpu.memref_slice %arg2[%dma_wait3A_41, %dma_wait3A_42] : memref<1000x1024xf32, #tpu.memory_space<hbm>> -> memref<1000x1024xf32, #tpu.memory_space<hbm>>
        tpu.wait_indirect_dma semaphore(%arg7 : memref<!tpu.dma_semaphore, #tpu.memory_space<semaphore_mem>>) src(%dma_wait3A_43 : memref<1000x1024xf32, #tpu.memory_space<hbm>>) dst(%dma_wait3A_39 : memref<40x1024xf32, #tpu.memory_space<vmem>>)
        %mul3A_44 = arith.constant 40 : i32
        %mul3A_45 = arith.muli %scan3A_17, %mul3A_44 : i32
        %add3A_46 = arith.addi %mul3A_2, %mul3A_45 : i32
        %run_scoped3A = arith.constant 0 : i32
        "tpu.region"() ({
          %run_scoped3A_47 = tpu.sem_alloc : memref<!tpu.dma_semaphore, #tpu.memory_space<semaphore_mem>>
          %dma_start3A_48 = arith.constant 0 : i32
          %dma_start3A_49 = arith.constant 0 : i32
          %dma_start3A_50 = tpu.memref_slice %arg6[%run_scoped3A, %dma_start3A_48, %dma_start3A_49] : memref<2x40x1024xf32, #tpu.memory_space<vmem>> -> memref<1x40x1024xf32, #tpu.memory_space<vmem>>
          %dma_start3A_51 = tpu.memref_squeeze %dma_start3A_50 : memref<1x40x1024xf32, #tpu.memory_space<vmem>> -> memref<40x1024xf32, #tpu.memory_space<vmem>>
          %dma_start3A_52 = arith.constant 0 : i32
          %dma_start3A_53 = tpu.memref_slice %arg4[%add3A_46, %dma_start3A_52] : memref<51200x1024xf32, #tpu.memory_space<hbm>> -> memref<40x1024xf32, #tpu.memory_space<hbm>>
          %dma_start3A_54 = arith.constant 0 : i32
          %dma_start3A_55 = tpu.memref_slice %arg4[%add3A_46, %dma_start3A_54] : memref<51200x1024xf32, #tpu.memory_space<hbm>> -> memref<40x1024xf32, #tpu.memory_space<hbm>>
          %dma_start3A_56 = arith.constant 0 : i32
          %dma_start3A_57 = arith.constant 0 : i32
          %dma_start3A_58 = tpu.memref_slice %arg6[%run_scoped3A, %dma_start3A_56, %dma_start3A_57] : memref<2x40x1024xf32, #tpu.memory_space<vmem>> -> memref<1x40x1024xf32, #tpu.memory_space<vmem>>
          %dma_start3A_59 = tpu.memref_squeeze %dma_start3A_58 : memref<1x40x1024xf32, #tpu.memory_space<vmem>> -> memref<40x1024xf32, #tpu.memory_space<vmem>>
          tpu.enqueue_dma source(%dma_start3A_59 : memref<40x1024xf32, #tpu.memory_space<vmem>>) target(%dma_start3A_55 : memref<40x1024xf32, #tpu.memory_space<hbm>>) target_semaphore(%run_scoped3A_47 : memref<!tpu.dma_semaphore, #tpu.memory_space<semaphore_mem>>)
          %dma_wait3A_60 = arith.constant 0 : i32
          %dma_wait3A_61 = arith.constant 0 : i32
          %dma_wait3A_62 = tpu.memref_slice %arg6[%run_scoped3A, %dma_wait3A_60, %dma_wait3A_61] : memref<2x40x1024xf32, #tpu.memory_space<vmem>> -> memref<1x40x1024xf32, #tpu.memory_space<vmem>>
          %dma_wait3A_63 = tpu.memref_squeeze %dma_wait3A_62 : memref<1x40x1024xf32, #tpu.memory_space<vmem>> -> memref<40x1024xf32, #tpu.memory_space<vmem>>
          %dma_wait3A_64 = arith.constant 0 : i32
          %dma_wait3A_65 = tpu.memref_slice %arg4[%add3A_46, %dma_wait3A_64] : memref<51200x1024xf32, #tpu.memory_space<hbm>> -> memref<40x1024xf32, #tpu.memory_space<hbm>>
          %dma_wait3A_66 = arith.constant 0 : i32
          %dma_wait3A_67 = tpu.memref_slice %arg4[%add3A_46, %dma_wait3A_66] : memref<51200x1024xf32, #tpu.memory_space<hbm>> -> memref<40x1024xf32, #tpu.memory_space<hbm>>
          %dma_wait3A_68 = arith.constant 0 : i32
          %dma_wait3A_69 = arith.constant 0 : i32
          %dma_wait3A_70 = tpu.memref_slice %arg6[%run_scoped3A, %dma_wait3A_68, %dma_wait3A_69] : memref<2x40x1024xf32, #tpu.memory_space<vmem>> -> memref<1x40x1024xf32, #tpu.memory_space<vmem>>
          %dma_wait3A_71 = tpu.memref_squeeze %dma_wait3A_70 : memref<1x40x1024xf32, #tpu.memory_space<vmem>> -> memref<40x1024xf32, #tpu.memory_space<vmem>>
          tpu.wait_dma2 semaphore(%run_scoped3A_47 : memref<!tpu.dma_semaphore, #tpu.memory_space<semaphore_mem>>) src(%dma_wait3A_71 : memref<40x1024xf32, #tpu.memory_space<vmem>>) dst(%dma_wait3A_67 : memref<40x1024xf32, #tpu.memory_space<hbm>>)
          tpu.yield
        }) : () -> ()
      } else {
      }
      %rem3A_21 = arith.constant 2 : i32
      %rem3A_22 = arith.remsi %scan3A_17, %rem3A_21 : i32
      %eq3A_23 = arith.constant 1 : i32
      %eq3A_24 = arith.cmpi eq, %rem3A_22, %eq3A_23 : i32
      %convert_element_type3A_25 = arith.extui %eq3A_24 : i1 to i32
      %cond3A_26 = arith.constant 0 : i32
      %cond3A_27 = arith.cmpi ne, %convert_element_type3A_25, %cond3A_26 : i32
      scf.if %cond3A_27 {
        %add3A_28 = arith.constant 1 : i32
        %add3A_29 = arith.addi %scan3A_17, %add3A_28 : i32
        %lt3A = arith.constant 40 : i32
        %lt3A_30 = arith.cmpi slt, %add3A_29, %lt3A : i32
        %convert_element_type3A_31 = arith.extui %lt3A_30 : i1 to i32
        %cond3A_32 = arith.constant 0 : i32
        %cond3A_33 = arith.cmpi ne, %convert_element_type3A_31, %cond3A_32 : i32
        scf.if %cond3A_33 {
          %add3A_47 = arith.constant 1 : i32
          %add3A_48 = arith.addi %scan3A_17, %add3A_47 : i32
          %mul3A_49 = arith.constant 40 : i32
          %mul3A_50 = arith.muli %add3A_48, %mul3A_49 : i32
          %dma_start3A_51 = arith.constant 0 : i32
          %dma_start3A_52 = arith.constant 0 : i32
          %dma_start3A_53 = arith.constant 0 : i32
          %dma_start3A_54 = tpu.memref_slice %arg6[%dma_start3A_51, %dma_start3A_52, %dma_start3A_53] : memref<2x40x1024xf32, #tpu.memory_space<vmem>> -> memref<1x40x1024xf32, #tpu.memory_space<vmem>>
          %dma_start3A_55 = tpu.memref_squeeze %dma_start3A_54 : memref<1x40x1024xf32, #tpu.memory_space<vmem>> -> memref<40x1024xf32, #tpu.memory_space<vmem>>
          %dma_start3A_56 = tpu.memref_slice %arg5[%mul3A_50] : memref<1600xi32, #tpu.memory_space<vmem>> -> memref<40xi32, #tpu.memory_space<vmem>>
          %dma_start3A_57 = arith.constant 0 : i32
          %dma_start3A_58 = arith.constant 0 : i32
          %dma_start3A_59 = tpu.memref_slice %arg2[%dma_start3A_57, %dma_start3A_58] : memref<1000x1024xf32, #tpu.memory_space<hbm>> -> memref<1000x1024xf32, #tpu.memory_space<hbm>>
          tpu.enqueue_indirect_dma source(%dma_start3A_59 : memref<1000x1024xf32, #tpu.memory_space<hbm>>) target(%dma_start3A_55 : memref<40x1024xf32, #tpu.memory_space<vmem>>) offsets(%dma_start3A_56 : memref<40xi32, #tpu.memory_space<vmem>>) semaphore(%arg7 : memref<!tpu.dma_semaphore, #tpu.memory_space<semaphore_mem>>)
        } else {
        }
        %mul3A_34 = arith.constant 40 : i32
        %mul3A_35 = arith.muli %scan3A_17, %mul3A_34 : i32
        %dma_wait3A = arith.constant 1 : i32
        %dma_wait3A_36 = arith.constant 0 : i32
        %dma_wait3A_37 = arith.constant 0 : i32
        %dma_wait3A_38 = tpu.memref_slice %arg6[%dma_wait3A, %dma_wait3A_36, %dma_wait3A_37] : memref<2x40x1024xf32, #tpu.memory_space<vmem>> -> memref<1x40x1024xf32, #tpu.memory_space<vmem>>
        %dma_wait3A_39 = tpu.memref_squeeze %dma_wait3A_38 : memref<1x40x1024xf32, #tpu.memory_space<vmem>> -> memref<40x1024xf32, #tpu.memory_space<vmem>>
        %dma_wait3A_40 = tpu.memref_slice %arg5[%mul3A_35] : memref<1600xi32, #tpu.memory_space<vmem>> -> memref<40xi32, #tpu.memory_space<vmem>>
        %dma_wait3A_41 = arith.constant 0 : i32
        %dma_wait3A_42 = arith.constant 0 : i32
        %dma_wait3A_43 = tpu.memref_slice %arg2[%dma_wait3A_41, %dma_wait3A_42] : memref<1000x1024xf32, #tpu.memory_space<hbm>> -> memref<1000x1024xf32, #tpu.memory_space<hbm>>
        tpu.wait_indirect_dma semaphore(%arg8 : memref<!tpu.dma_semaphore, #tpu.memory_space<semaphore_mem>>) src(%dma_wait3A_43 : memref<1000x1024xf32, #tpu.memory_space<hbm>>) dst(%dma_wait3A_39 : memref<40x1024xf32, #tpu.memory_space<vmem>>)
        %mul3A_44 = arith.constant 40 : i32
        %mul3A_45 = arith.muli %scan3A_17, %mul3A_44 : i32
        %add3A_46 = arith.addi %mul3A_2, %mul3A_45 : i32
        %run_scoped3A = arith.constant 1 : i32
        "tpu.region"() ({
          %run_scoped3A_47 = tpu.sem_alloc : memref<!tpu.dma_semaphore, #tpu.memory_space<semaphore_mem>>
          %dma_start3A_48 = arith.constant 0 : i32
          %dma_start3A_49 = arith.constant 0 : i32
          %dma_start3A_50 = tpu.memref_slice %arg6[%run_scoped3A, %dma_start3A_48, %dma_start3A_49] : memref<2x40x1024xf32, #tpu.memory_space<vmem>> -> memref<1x40x1024xf32, #tpu.memory_space<vmem>>
          %dma_start3A_51 = tpu.memref_squeeze %dma_start3A_50 : memref<1x40x1024xf32, #tpu.memory_space<vmem>> -> memref<40x1024xf32, #tpu.memory_space<vmem>>
          %dma_start3A_52 = arith.constant 0 : i32
          %dma_start3A_53 = tpu.memref_slice %arg4[%add3A_46, %dma_start3A_52] : memref<51200x1024xf32, #tpu.memory_space<hbm>> -> memref<40x1024xf32, #tpu.memory_space<hbm>>
          %dma_start3A_54 = arith.constant 0 : i32
          %dma_start3A_55 = tpu.memref_slice %arg4[%add3A_46, %dma_start3A_54] : memref<51200x1024xf32, #tpu.memory_space<hbm>> -> memref<40x1024xf32, #tpu.memory_space<hbm>>
          %dma_start3A_56 = arith.constant 0 : i32
          %dma_start3A_57 = arith.constant 0 : i32
          %dma_start3A_58 = tpu.memref_slice %arg6[%run_scoped3A, %dma_start3A_56, %dma_start3A_57] : memref<2x40x1024xf32, #tpu.memory_space<vmem>> -> memref<1x40x1024xf32, #tpu.memory_space<vmem>>
          %dma_start3A_59 = tpu.memref_squeeze %dma_start3A_58 : memref<1x40x1024xf32, #tpu.memory_space<vmem>> -> memref<40x1024xf32, #tpu.memory_space<vmem>>
          tpu.enqueue_dma source(%dma_start3A_59 : memref<40x1024xf32, #tpu.memory_space<vmem>>) target(%dma_start3A_55 : memref<40x1024xf32, #tpu.memory_space<hbm>>) target_semaphore(%run_scoped3A_47 : memref<!tpu.dma_semaphore, #tpu.memory_space<semaphore_mem>>)
          %dma_wait3A_60 = arith.constant 0 : i32
          %dma_wait3A_61 = arith.constant 0 : i32
          %dma_wait3A_62 = tpu.memref_slice %arg6[%run_scoped3A, %dma_wait3A_60, %dma_wait3A_61] : memref<2x40x1024xf32, #tpu.memory_space<vmem>> -> memref<1x40x1024xf32, #tpu.memory_space<vmem>>
          %dma_wait3A_63 = tpu.memref_squeeze %dma_wait3A_62 : memref<1x40x1024xf32, #tpu.memory_space<vmem>> -> memref<40x1024xf32, #tpu.memory_space<vmem>>
          %dma_wait3A_64 = arith.constant 0 : i32
          %dma_wait3A_65 = tpu.memref_slice %arg4[%add3A_46, %dma_wait3A_64] : memref<51200x1024xf32, #tpu.memory_space<hbm>> -> memref<40x1024xf32, #tpu.memory_space<hbm>>
          %dma_wait3A_66 = arith.constant 0 : i32
          %dma_wait3A_67 = tpu.memref_slice %arg4[%add3A_46, %dma_wait3A_66] : memref<51200x1024xf32, #tpu.memory_space<hbm>> -> memref<40x1024xf32, #tpu.memory_space<hbm>>
          %dma_wait3A_68 = arith.constant 0 : i32
          %dma_wait3A_69 = arith.constant 0 : i32
          %dma_wait3A_70 = tpu.memref_slice %arg6[%run_scoped3A, %dma_wait3A_68, %dma_wait3A_69] : memref<2x40x1024xf32, #tpu.memory_space<vmem>> -> memref<1x40x1024xf32, #tpu.memory_space<vmem>>
          %dma_wait3A_71 = tpu.memref_squeeze %dma_wait3A_70 : memref<1x40x1024xf32, #tpu.memory_space<vmem>> -> memref<40x1024xf32, #tpu.memory_space<vmem>>
          tpu.wait_dma2 semaphore(%run_scoped3A_47 : memref<!tpu.dma_semaphore, #tpu.memory_space<semaphore_mem>>) src(%dma_wait3A_71 : memref<40x1024xf32, #tpu.memory_space<vmem>>) dst(%dma_wait3A_67 : memref<40x1024xf32, #tpu.memory_space<hbm>>)
          tpu.yield
        }) : () -> ()
      } else {
      }
    }
    %scan3A_16 = arith.constant 40 : i32
    return
  }
}

module attributes {stable_mosaic.version = 14 : i64} {
  func.func @_loss_body(%arg0: i32, %arg1: memref<1x1x1024xi32, #tpu.memory_space<vmem>>, %arg2: memref<1024x1024xf32, #tpu.memory_space<vmem>>, %arg3: memref<1x1000x1024xf32, #tpu.memory_space<vmem>>, %arg4: memref<1x1xf32, #tpu.memory_space<smem>>, %arg5: memref<1xf32, #tpu.memory_space<smem>>) attributes {dimension_semantics = [#tpu.dimension_semantics<arbitrary>], iteration_bounds = array<i64: 50>, scalar_prefetch = 0 : i64, scratch_operands = 1 : i64, tpu.core_type = #tpu.core_type<tc>, window_params = [{transform_indices = @transform_0, window_bounds = array<i64: 1, 1, 1024>}, {transform_indices = @transform_1, window_bounds = array<i64: 1024, 1024>}, {transform_indices = @transform_2, window_bounds = array<i64: 1, 1000, 1024>}, {transform_indices = @transform_3, window_bounds = array<i64: 1, 1>}]} {
    %eq3A = arith.constant 0 : i32
    %eq3A_0 = arith.cmpi eq, %arg0, %eq3A : i32
    %convert_element_type3A = arith.extui %eq3A_0 : i1 to i32
    %cond3A = arith.constant 0 : i32
    %cond3A_1 = arith.cmpi ne, %convert_element_type3A, %cond3A : i32
    scf.if %cond3A_1 {
      %swap3A_45 = arith.constant 0.000000e+00 : f32
      %swap3A_46 = arith.constant 0 : index
      %swap3A_47 = memref.load %arg5[%swap3A_46] : memref<1xf32, #tpu.memory_space<smem>>
      memref.store %swap3A_45, %arg5[%swap3A_46] : memref<1xf32, #tpu.memory_space<smem>>
    } else {
    }
    %get3A = arith.constant 0 : index
    %get3A_2 = arith.constant 0 : index
    %get3A_3 = vector.load %arg2[%get3A, %get3A_2] : memref<1024x1024xf32, #tpu.memory_space<vmem>>, vector<1024x1024xf32>
    %iota3A = tpu.iota {dimensions = array<i32: 1>} : vector<1024x1024xi32>
    %lt3A = arith.constant 1000 : i32
    %lt3A_4 = vector.broadcast %lt3A : i32 to vector<1024x1024xi32>
    %lt3A_5 = arith.cmpi slt, %iota3A, %lt3A_4 : vector<1024x1024xi32>
    %jit3A = arith.constant 0xFF800000 : f32
    %broadcast_in_dim3A = vector.broadcast %jit3A : f32 to vector<1024x1024xf32>
    %select_n3A = arith.select %lt3A_5, %get3A_3, %broadcast_in_dim3A : vector<1024x1024xi1>, vector<1024x1024xf32>
    %reduce_max3A = arith.constant dense<0xFF800000> : vector<1024xf32>
    %reduce_max3A_6 = vector.multi_reduction <maximumf>, %select_n3A, %reduce_max3A [1] : vector<1024x1024xf32> to vector<1024xf32>
    %broadcast_in_dim3A_7 = vector.shape_cast %reduce_max3A_6 : vector<1024xf32> to vector<1024x1xf32>
    %squeeze3A = vector.shape_cast %broadcast_in_dim3A_7 : vector<1024x1xf32> to vector<1024xf32>
    %sub3A = vector.broadcast %broadcast_in_dim3A_7 : vector<1024x1xf32> to vector<1024x1024xf32>
    %sub3A_8 = arith.subf %select_n3A, %sub3A : vector<1024x1024xf32>
    %exp3A = math.exp %sub3A_8 : vector<1024x1024xf32>
    %reduce_sum3A = arith.constant dense<0.000000e+00> : vector<1024xf32>
    %reduce_sum3A_9 = vector.multi_reduction <add>, %exp3A, %reduce_sum3A [1] : vector<1024x1024xf32> to vector<1024xf32>
    %log3A = math.log %reduce_sum3A_9 : vector<1024xf32>
    %add3A = arith.addf %squeeze3A, %log3A : vector<1024xf32>
    %get3A_10 = arith.constant 0 : index
    %get3A_11 = arith.constant 0 : index
    %get3A_12 = arith.constant 0 : index
    %get3A_13 = vector.load %arg1[%get3A_10, %get3A_11, %get3A_12] : memref<1x1x1024xi32, #tpu.memory_space<vmem>>, vector<1x1x1024xi32>
    %get3A_14 = vector.shape_cast %get3A_13 : vector<1x1x1024xi32> to vector<1024xi32>
    %iota3A_15 = tpu.iota {dimensions = array<i32: 1>} : vector<1024x1024xi32>
    %broadcast_in_dim3A_16 = vector.shape_cast %get3A_14 : vector<1024xi32> to vector<1024x1xi32>
    %eq3A_17 = vector.broadcast %broadcast_in_dim3A_16 : vector<1024x1xi32> to vector<1024x1024xi32>
    %eq3A_18 = arith.cmpi eq, %iota3A_15, %eq3A_17 : vector<1024x1024xi32>
    %jit3A_19 = arith.constant 0.000000e+00 : f32
    %broadcast_in_dim3A_20 = vector.broadcast %jit3A_19 : f32 to vector<1024x1024xf32>
    %select_n3A_21 = arith.select %eq3A_18, %get3A_3, %broadcast_in_dim3A_20 : vector<1024x1024xi1>, vector<1024x1024xf32>
    %reduce_sum3A_22 = arith.constant dense<0.000000e+00> : vector<1024xf32>
    %reduce_sum3A_23 = vector.multi_reduction <add>, %select_n3A_21, %reduce_sum3A_22 [1] : vector<1024x1024xf32> to vector<1024xf32>
    %get3A_24 = arith.constant 0 : index
    %get3A_25 = memref.load %arg5[%get3A_24] : memref<1xf32, #tpu.memory_space<smem>>
    %sub3A_26 = arith.subf %add3A, %reduce_sum3A_23 : vector<1024xf32>
    %reduce_sum3A_27 = vector.shape_cast %sub3A_26 : vector<1024xf32> to vector<1x1024xf32>
    %reduce_sum3A_28 = arith.constant dense<0.000000e+00> : vector<1xf32>
    %reduce_sum3A_29 = vector.multi_reduction <add>, %reduce_sum3A_27, %reduce_sum3A_28 [1] : vector<1x1024xf32> to vector<1xf32>
    %reduce_sum3A_30 = vector.shape_cast %reduce_sum3A_29 : vector<1xf32> to vector<1x1xf32>
    %reduce_sum3A_31 = vector.extract %reduce_sum3A_30[0, 0] : f32 from vector<1x1xf32>
    %add3A_32 = arith.addf %get3A_25, %reduce_sum3A_31 : f32
    %swap3A = arith.constant 0 : index
    %swap3A_33 = memref.load %arg5[%swap3A] : memref<1xf32, #tpu.memory_space<smem>>
    memref.store %add3A_32, %arg5[%swap3A] : memref<1xf32, #tpu.memory_space<smem>>
    %transpose3A = tpu.transpose %get3A_3, [1, 0] : vector<1024x1024xf32> -> vector<1024x1024xf32>
    %slice3A = vector.extract_strided_slice %transpose3A {offsets = [0, 0], sizes = [1000, 1024], strides = [1, 1]} : vector<1024x1024xf32> to vector<1000x1024xf32>
    %swap3A_34 = arith.constant 0 : index
    %swap3A_35 = arith.constant 0 : index
    %swap3A_36 = arith.constant 0 : index
    %swap3A_37 = vector.load %arg3[%swap3A_34, %swap3A_35, %swap3A_36] : memref<1x1000x1024xf32, #tpu.memory_space<vmem>>, vector<1x1000x1024xf32>
    %swap3A_38 = vector.shape_cast %swap3A_37 : vector<1x1000x1024xf32> to vector<1000x1024xf32>
    %swap3A_39 = vector.shape_cast %slice3A : vector<1000x1024xf32> to vector<1x1000x1024xf32>
    tpu.vector_store %arg3[%swap3A_34, %swap3A_35, %swap3A_36], %swap3A_39 {strides = array<i32>} : memref<1x1000x1024xf32, #tpu.memory_space<vmem>>, vector<1x1000x1024xf32>,
    %eq3A_40 = arith.constant 49 : i32
    %eq3A_41 = arith.cmpi eq, %arg0, %eq3A_40 : i32
    %convert_element_type3A_42 = arith.extui %eq3A_41 : i1 to i32
    %cond3A_43 = arith.constant 0 : i32
    %cond3A_44 = arith.cmpi ne, %convert_element_type3A_42, %cond3A_43 : i32
    scf.if %cond3A_44 {
      %get3A_45 = arith.constant 0 : index
      %get3A_46 = memref.load %arg5[%get3A_45] : memref<1xf32, #tpu.memory_space<smem>>
      %div3A = arith.constant 5.120000e+04 : f32
      %div3A_47 = arith.divf %get3A_46, %div3A : f32
      %swap3A_48 = arith.constant 0 : index
      %swap3A_49 = arith.constant 0 : index
      %swap3A_50 = memref.load %arg4[%swap3A_48, %swap3A_49] : memref<1x1xf32, #tpu.memory_space<smem>>
      memref.store %div3A_47, %arg4[%swap3A_48, %swap3A_49] : memref<1x1xf32, #tpu.memory_space<smem>>
    } else {
    }
    return
  }
  func.func @transform_0(%arg0: i32) -> (i32, i32, i32) {
    %c0_i32 = arith.constant 0 : i32
    %c0_i32_0 = arith.constant 0 : i32
    %c0_i32_1 = arith.constant 0 : i32
    return %arg0, %c0_i32, %c0_i32_0 : i32, i32, i32
  }
  func.func @transform_1(%arg0: i32) -> (i32, i32) {
    %c0_i32 = arith.constant 0 : i32
    %c0_i32_0 = arith.constant 0 : i32
    return %arg0, %c0_i32 : i32, i32
  }
  func.func @transform_2(%arg0: i32) -> (i32, i32, i32) {
    %c0_i32 = arith.constant 0 : i32
    %c0_i32_0 = arith.constant 0 : i32
    %c0_i32_1 = arith.constant 0 : i32
    return %arg0, %c0_i32, %c0_i32_0 : i32, i32, i32
  }
  func.func @transform_3(%arg0: i32) -> (i32, i32) {
    %c0_i32 = arith.constant 0 : i32
    %c0_i32_0 = arith.constant 0 : i32
    %c0_i32_1 = arith.constant 0 : i32
    return %c0_i32, %c0_i32_0 : i32, i32
  }
}

</mosaic_0001>

<sc_bundles>
// kernel: kernel.4.cloned.1.call-start
scs
__scs_entry_jumppad:
0x0: {  	(pc) =	sbr.rel $0x88, $3  }
0x1: {  	(tag) =	ssettag $0x0;
	lr =	simm.s32 $0x1  }
0x2: {  	[smem:$0x3F9E] =	sst lr;
	_ =	strace $0xD0000000  }
0x3: {  	_ = 	snop  }
0x4: {  	_ = 	snop  }
0x5: {  	_ = 	snop  }
0x6: {  	_ = 	snop  }
0x7: {  	_ = 	snop  }
__scs_overlays_trampoline_lowered:
0x8: {  	[smem:$0x3FAD] =	sst s0  }
0x9: {  	[smem:$0x3FAE] =	sst s1  }
0xa: {  	[smem:$0x3FAF] =	sst s2  }
0xb: {  	[smem:$0x3FB0] =	sst s3  }
0xc: {  	[smem:$0x3FB1] =	sst s4  }
0xd: {  	[smem:$0x3FB2] =	sst s5  }
0xe: {  	[smem:$0x3FB3] =	sst s6  }
0xf: {  	[smem:$0x3FB4] =	sst s7  }
0x10: {  	[smem:$0x3FB5] =	sst s8  }
0x11: {  	[smem:$0x3FB6] =	sst s9;
	s0 =	simm.s32 @!p0 $0x0  }
0x12: {  	s1 =	sld [smem:$0x3F9C];
	s0 =	simm.s32 @p0 $0x1  }
0x13: {  	[smem:$0x3FB7] =	sst s0;
	s0 =	simm.s32 @!p1 $0x0  }
0x14: {  	s2 =	sld [smem:$0x3F9B];
	s0 =	simm.s32 @p1 $0x1  }
0x15: {  	[smem:$0x3FB8] =	sst s0;
	s0 =	simm.s32 @!p2 $0x0  }
0x16: {  	s3 =	sld [smem:$0x3FDB];
	s0 =	simm.s32 @p2 $0x1  }
0x17: {  	s4 =	simm.s32 $0x1BF5;
	[smem:$0x3FBA] =	sst s0  }
0x18: {  	s0 =	sld [smem:$0x3F9D];
	_ =	swait.ge [sflag:s4], $0x0  }
0x19: {  	s7 =	sld [smem:$0x3F9E]  }
0x1a: {  	s8 =	sadd.s32 $0xFFFFE003, lr  }
0x1b: {  	s9 =	sadd.s32 $0xFFFFFEF7, lr;
	s5 =	simm.s32 $0xFFFFFFFF;
	p2 =	slt.u32 s8, $0xFFFFF086  }
0x1c: {  	p1 =	slt.u32 s9, $0xF7A;
	s5 =	simm.s32 @!p2 $0x0  }
0x1d: {  	s5 =	simm.s32 @p1 $0x1;
	p0 =	seq.s32 s7, s2  }
0x1e: {  	s7 =	smul.u32 @!p0 $0xF7A, s2;
	p2 =	seq.s32 @!p0 s5, $0x0  }
0x1f: {  	s9 =	smul.u32 $0xF7A, s1;
	s8 =	simm.s32 @!p0 $0x1BF5;
	p2 =	por !p2, p0  }
0x20: {  	[sflag:s8] =	ssyncset.s32 @!p0 $0xFFFFF086;
	s6 =	sadd.s32 @!p0 s3, s7;
	s7 =	simm.s32 @!p0 $0x108  }
0x21: {  	s3 =	sadd.s32 s3, s9;
	s6 =	sadd.s32 @!p0 $0x88, s6;
	s7 =	simm.s32 @p2 $0x1082  }
0x22: {  	[simem:s7], [sflag:s8] =	dma.local @!p0 [hbm:s6], $0xF7A  }
0x23: {  	s9 =	sor.u32 $0xD0000000, s2;
	s6 =	simm.s32 $0x108;
	_ =	swait.ge @!p0 [sflag:s8], $0x0  }
0x24: {  	s3 =	sadd.s32 $0x88, s3;
	s6 =	simm.s32 @!p1 $0x1082;
	[sflag:s4] =	ssyncset.s32 $0xFFFFF086  }
0x25: {  	[simem:s6], [sflag:s4] =	dma.local [hbm:s3], $0xF7A  }
0x26: {  	[smem:$0x3F9E] =	sst s1;
	(tag) =	ssettag s2;
	_ =	strace s9  }
0x27: {  	s1 =	sld [smem:$0x3FAE]  }
0x28: {  	s2 =	sld [smem:$0x3FAF]  }
0x29: {  	s4 =	sld [smem:$0x3FB1]  }
0x2a: {  	p0 =	seq.s32 s5, $0x0;
	s5 =	sld [smem:$0x3FB2]  }
0x2b: {  	s6 =	sld [smem:$0x3FB3]  }
0x2c: {  	s7 =	sld [smem:$0x3FB4]  }
0x2d: {  	s3 =	simm.s32 $0x108;
	s8 =	sld [smem:$0x3FB5]  }
0x2e: {  	s3 =	simm.s32 @!p0 $0x1082;
	s9 =	sld [smem:$0x3FB6]  }
0x2f: {  	lr =	sadd.s32 s0, s3;
	s0 =	sld [smem:$0x3FAD]  }
0x30: {  	s3 =	sld [smem:$0x3FB0]  }
0x31: {  	[smem:$0x3FB9] =	sst s10  }
0x32: {  	s10 =	sld [smem:$0x3FB7];
	_ =	sdelay $0x3  }
0x33: {  	p0 =	seq.s32 s10, $0x1;
	s10 =	sld [smem:$0x3FB9];
	_ =	sdelay $0x3  }
0x34: {  	[smem:$0x3FB9] =	sst s10  }
0x35: {  	s10 =	sld [smem:$0x3FB8];
	_ =	sdelay $0x3  }
0x36: {  	p1 =	seq.s32 s10, $0x1;
	s10 =	sld [smem:$0x3FB9];
	_ =	sdelay $0x3  }
0x37: {  	[smem:$0x3FB9] =	sst s10  }
0x38: {  	s10 =	sld [smem:$0x3FBA]  }
0x39: {  	_ = 	snop;
	(pc) =	sbr.ind lr, $3  }
0x3a: {  	_ = 	snop  }
0x3b: {  	_ = 	snop  }
0x3c: {  	p2 =	seq.s32 s10, $0x1;
	s10 =	sld [smem:$0x3FB9]  }
0x3d: {  	_ =	shalt  }
0x3e: {  	_ =	shalt  }
0x3f: {  	_ =	shalt  }
0x40: {  	_ =	shalt  }
0x41: {  	_ =	shalt  }
0x42: {  	_ =	shalt  }
0x43: {  	_ =	shalt  }
0x44: {  	_ =	shalt  }
0x45: {  	_ =	shalt  }
0x46: {  	_ =	shalt  }
0x47: {  	_ =	shalt  }
0x48: {  	_ =	shalt  }
0x49: {  	_ =	shalt  }
0x4a: {  	_ =	shalt  }
0x4b: {  	_ =	shalt  }
0x4c: {  	_ =	shalt  }
0x4d: {  	_ =	shalt  }
0x4e: {  	_ =	shalt  }
0x4f: {  	_ =	shalt  }
0x50: {  	_ =	shalt  }
0x51: {  	_ =	shalt  }
0x52: {  	_ =	shalt  }
0x53: {  	_ =	shalt  }
0x54: {  	_ =	shalt  }
0x55: {  	_ =	shalt  }
0x56: {  	_ =	shalt  }
0x57: {  	_ =	shalt  }
0x58: {  	_ =	shalt  }
0x59: {  	_ =	shalt  }
0x5a: {  	_ =	shalt  }
0x5b: {  	_ =	shalt  }
0x5c: {  	_ =	shalt  }
0x5d: {  	_ =	shalt  }
0x5e: {  	_ =	shalt  }
0x5f: {  	_ =	shalt  }
0x60: {  	_ =	shalt  }
0x61: {  	_ =	shalt  }
0x62: {  	_ =	shalt  }
0x63: {  	_ =	shalt  }
0x64: {  	_ =	shalt  }
0x65: {  	_ =	shalt  }
0x66: {  	_ =	shalt  }
0x67: {  	_ =	shalt  }
0x68: {  	_ =	shalt  }
0x69: {  	_ =	shalt  }
0x6a: {  	_ =	shalt  }
0x6b: {  	_ =	shalt  }
0x6c: {  	_ =	shalt  }
0x6d: {  	_ =	shalt  }
0x6e: {  	_ =	shalt  }
0x6f: {  	_ =	shalt  }
0x70: {  	_ =	shalt  }
0x71: {  	_ =	shalt  }
0x72: {  	_ =	shalt  }
0x73: {  	_ =	shalt  }
0x74: {  	_ =	shalt  }
0x75: {  	_ =	shalt  }
0x76: {  	_ =	shalt  }
0x77: {  	_ =	shalt  }
0x78: {  	_ =	shalt  }
0x79: {  	_ =	shalt  }
0x7a: {  	_ =	shalt  }
0x7b: {  	_ =	shalt  }
0x7c: {  	_ =	shalt  }
0x7d: {  	_ =	shalt  }
0x7e: {  	_ =	shalt  }
0x7f: {  	_ =	shalt  }
0x80: {  	_ =	shalt  }
0x81: {  	_ =	shalt  }
0x82: {  	_ =	shalt  }
0x83: {  	_ =	shalt  }
0x84: {  	_ =	shalt  }
0x85: {  	_ =	shalt  }
0x86: {  	_ =	shalt  }
0x87: {  	_ =	shalt  }
.Lfunc_end0:
.L_simem_size_0:
called_computation_lowered:
.L_overlay_start_0:
0x88: {  	s2 =	sld [smem:$0x3FD9]  }
0x89: {  	s3 =	sld [smem:$0x3FFE];
	_ =	sdelay $0x1  }
0x8a: {  	s1 =	srdreg.scid  }
0x8b: {  	s0 =	sand.u32 $0x1, s1  }
0x8c: {  	s14 =	sshll.u32 s0, $0xA;
	s2 =	sadd.s32 s3, s2  }
0x8d: {  	s2 =	sadd.s32 s2, s14  }
0x8e: {  	[smem:$0x3FC5] =	sst s2  }
0x8f: {  	_ = 	snop  }
0x90: {  	s2 =	sld [smem:$0x3FD0];
	_ =	sdelay $0x2  }
0x91: {  	s15 =	simm.s32 $0xA;
	s4 =	simm.s32 $0x10  }
0x92: {  	[smem:s4], [sflag:s15] =	dma.local [hbm:s2], $0x1  }
0x93: {  	_ =	swait.eq [sflag:s15], $0x1  }
0x94: {  	[sflag:s15] =	ssyncset.done $0x0  }
0x95: {  	[sflag:s15] =	ssyncadd.s32 $0xFFFFFFFF  }
0x96: {  	s16 =	sld [smem:$0x10];
	(tm) =	ssettm $0x1  }
0x97: {  	s17 =	sld [smem:$0x3FFB];
	_ =	sdelay $0x3  }
0x98: {  	_ =	strace s17  }
0x99: {  	s3 =	sld [smem:$0x3FFC];
	_ =	sdelay $0x3  }
0x9a: {  	_ =	strace s3  }
0x9b: {  	s3 =	sld [smem:$0x3FFD];
	_ =	sdelay $0x3  }
0x9c: {  	_ =	strace s3  }
0x9d: {  	_ =	strace $0x8FFFFFFF  }
0x9e: {  	s18 =	sld [smem:$0x3FDB];
	_ =	sdelay $0x1  }
0x9f: {  	s19 =	simm.s32 $_scs_section_size  }
0xa0: {  	s5 =	simm.s32 $_size__tile_overlayer_lowered;
	s6 =	simm.s32 $_tile_overlayer_lowered  }
0xa1: {  	s22 =	simm.s32 $0x1BFF;
	s21 =	sshll.u32 s6, $0x1;
	s3 =	sadd.s32 s19, s18  }
0xa2: {  	s7 =	simm.s32 $0x0;
	s20 =	sshll.u32 s5, $0x1;
	s5 =	sadd.s32 s21, s3  }
0xa3: {  	[timem:s7], [sflag:s22] =	dma.local [hbm:s5], s20  }
0xa4: {  	_ =	swait.ge [sflag:s22], s20  }
0xa5: {  	s4 =	ssub.s32 $0x0, s20;
	[sflag:s22] =	ssyncset.done $0x0  }
0xa6: {  	[sflag:s22] =	ssyncadd.s32 s4;
	_ =	sdelay $0x1  }
0xa7: {  	s23 =	simm.s32 $0x1B8B  }
0xa8: {  	_ =	swait.ge [sflag:s23], $0x1  }
0xa9: {  	[sflag:s23] =	ssyncset.done $0x0  }
0xaa: {  	s25 =	simm.s32 $0x1B8E;
	s24 =	sld [smem:$0x3FFE];
	[sflag:s23] =	ssyncadd.s32 $0xFFFFFFFF  }
0xab: {  	s26 =	simm.s32 $execute0_lowered;
	[smem:$0x3FD2] =	sst s25  }
0xac: {  	s5 =	sshll.u32 s26, $0x1;
	_ =	strace $0x80000046;
	[dreg:$0x1] =	wrdreg $0xFFFFFFFF  }
0xad: {  	s28 =	simm.s32 $_size_execute0_lowered;
	s3 =	sadd.s32 s3, s5;
	[dreg:$0x0] =	wrdreg $0x0  }
0xae: {  	s5 =	sshll.u32 s28, $0x1;
	[dreg:$0x2] =	wrdreg s3  }
0xaf: {  	[dreg:$0x3] =	wrdreg s5  }
0xb0: {  	[dreg:$0x4] =	wrdreg $0xC0  }
0xb1: {  	_ =	task [dreg:s7], $0x5FFFF  }
0xb2: {  	[dreg:$0x1] =	wrdreg $0xFFFFFFFF  }
0xb3: {  	[dreg:$0x0] =	wrdreg $0x60  }
0xb4: {  	[dreg:$0x2] =	wrdreg s16  }
0xb5: {  	[dreg:$0x3] =	wrdreg s24  }
0xb6: {  	[dreg:$0x4] =	wrdreg $0x9  }
0xb7: {  	_ =	task.clear_ibuf [dreg:s7], $0x5FFFF;
	_ =	strace $0x90000046  }
0xb8: {  	s29 =	simm.s32 $0x9;
	_ =	strace $0x80000048  }
0xb9: {  	_ =	swait.ge [sflag:s29], $0x1  }
0xba: {  	[sflag:s29] =	ssyncadd.s32 $0xFFFFFFFF  }
0xbb: {  	_ =	strace $0x90000048  }
0xbc: {  	_ =	sfence  }
0xbd: {  	s30 =	sld [smem:$0x0];
	_ =	sdelay $0x2  }
0xbe: {  	s31 =	sshll.u32 s1, $0xD;
	s1 =	sshrl.u32 s1, $0x2  }
0xbf: {  	s3 =	sand.u32 $0x4000, s31;
	s1 =	sadd.s32 s1, s30  }
0xc0: {  	s0 =	sor.u32 s3, s0;
	s1 =	sshll.u32 s1, $0x11  }
0xc1: {  	s0 =	sor.u32 s1, s0  }
0xc2: {  	s0 =	sadd.s32 $0x8F2B, s0  }
0xc3: {  	[sflag:s0] =	ssyncadd.remote.s32 $0x1  }
0xc4: {  	_ =	sfence.sel $0xFFFF  }
0xc5: {  	[dreg:$0x0] =	wrdreg $0xFFFFFFFF;
	(pc) =	sbr.abs _section_cstart, $3  }
0xc6: {  	[dreg:$0x1] =	wrdreg $0xFFFFFFFF  }
0xc7: {  	_ =	task.clear_ibuf [dreg:s7], $0x2FFFF;
	_ =	strace $0x9FFFFFFF  }
0xc8: {  	(tm) =	ssettm $0x7FFFFFFF  }
0xc9: {  	_ =	shalt  }
tec
execute0_lowered:
.L_overlay_start_1:
0x0: {  	(tag) =	ssettag $0x1  }
0x1: {  	s0 =	srdreg.scid;
	s2 =	rddreg [dreg:$0x0]  }
0x2: {  	s5 =	stileid.u32;
	s4 =	rddreg [dreg:$0x1];
	s3 =	simm.s32 $0x0  }
0x3: {  	s11 =	simm.s32 $0x680;
	s9 =	simm.s32 $0xC680;
	s10 =	simm.s32 $0xCE80  }
0x4: {  	s12 =	simm.s32 $0xD680;
	s13 =	simm.s32 $0xDE80;
	s14 =	simm.s32 $0xE680  }
0x5: {  	s15 =	simm.s32 $0xEE80;
	s16 =	simm.s32 $0xF680;
	s17 =	simm.s32 $0xFE80  }
0x6: {  	s18 =	simm.s32 $0x10680;
	s19 =	simm.s32 $0x10E80;
	s20 =	simm.s32 $0x11680  }
0x7: {  	s21 =	simm.s32 $0x11E80;
	s22 =	simm.s32 $0x12680;
	s23 =	simm.s32 $0x12E80  }
0x8: {  	s24 =	simm.s32 $0x13680;
	s25 =	simm.s32 $0x13E80;
	s26 =	simm.s32 $0x1  }
0x9: {  	s28 =	simm.s32 $0x2;
	s29 =	simm.s32 $0x0;
	s0 =	sand.u32 $0x1, s0  }
0xa: {  	s1 =	sshll.u32 s5, $0x1;
	[smem:$0x7FF] =	sst s3;
	s5 =	smul.u32 $0x64000, s5  }
0xb: {  	s1 =	sor.u32 s0, s1;
	s6 =	ssub.s32 $0x2, s0;
	s0 =	smul.u32 $0x32000, s0  }
0xc: {  	_ =	strace $0x80000047;
	s1 =	smul.u32 $0x640, s1;
	s7 =	sshrl.u32 s6, $0x1  }
0xd: {  	s8 =	ssub.s32 s6, s7;
	s6 =	sadd.s32 $0x200, s2;
	s7 =	sadd.s32 $0x300, s2  }
.Ltmp0:
0xe: {  	s1 =	sshrl.u32 s1, $0x3;
	s31 =	smax.u32 s8, $0x1;
	(pc) =	sbr.rel .LBB2_1-.Ltmp0, $4  }
0xf: {  	s8 =	simm.s32 $0xBE80;
	s1 =	sadd.s32 s1, s4;
	s4 =	sadd.s32 s5, s4  }
0x10: {  	v2 =	vlaneseq.u32;
	[dreg:$0x4] =	wrdreg s31;
	s1 =	sadd.s32 $0x800, s1;
	s0 =	sadd.s32 s0, s4  }
0x11: {  	vm0 =	vmmov $0xffff;
	v1 =	vshrl.u32 v2, $0x3;
	s5 =	sadd.s32 $0x100, s2;
	[dreg:$0x3] =	wrdreg s1;
	s0 =	sadd.s32 $0x2200, s0  }
0x12: {  	v0 =	vand.u32 $0x7, v2;
	v2 =	vor.u32 $0x8, v2;
	v1 =	vmul.u32 $0x8, v1;
	s4 =	simm.s32 $0xB680;
	s1 =	simm.s32 $0xA680;
	[dreg:$0x5] =	wrdreg s0  }
.LBB2_8:
0x13: {  	s29 =	rddreg [dreg:$0x6]  }
0x14: {  	s0 =	rddreg [dreg:$0x4];
	s29 =	sadd.s32 $0x1, s29  }
0x15: {  	p0 =	sne.s32 s29, s0  }
.Ltmp1:
0x16: {  	_ = 	snop;
	(pc) =	sbr.rel @!p0 .LBB2_9-.Ltmp1, $1  }
0x17: {  	_ =	sdelay $0x3  }
.LBB2_1:
0x18: {  	s0 =	rddreg [dreg:$0x3]  }
0x19: {  	[tilespmem:s3], [sflag:$0x3] =	stream.linear.gather [hbm4b:s0+s3], $0x640, $0x38;
	[tilespmem:$0x14680] =	vst v63  }
0x1a: {  	[dreg:$0x6] =	wrdreg s29;
	s0 =	simm.s32 $0x3  }
0x1b: {  	_ =	swait.ge [sflag:s0], $0x640  }
0x1c: {  	[sflag:s0] =	ssyncset.done $0x0  }
0x1d: {  	[sflag:s0] =	ssyncadd.s32 $0xFFFFF9C0  }
0x1e: {  	v3 =	vld [tilespmem:$0x0];
	_ =	sdelay $0x4  }
0x1f: {  	v4 =	vshll.u32 v3, $0x3  }
0x20: {  	v3 =	vand.u32 $0x7, v3;
	v4 =	vand.u32 $0xFFFFFFC0, v4  }
0x21: {  	v3 =	vor.u32 v3, v4  }
0x22: {  	v4 =	vperm.xlane v3, v0;
	_ =	sdelay $0x1  }
0x23: {  	v4 =	vadd.s32 v1, v4;
	_ =	sdelay $0x4  }
0x24: {  	[tilespmem:s11], [sflag:$0x1] =	stream.indirect_vreg.gather [hbm4b:s2+s3], $0x80, v4, vm0, $0xb8;
	[tilespmem:$0x14680] =	vst v63  }
0x25: {  	s0 =	simm.s32 $0xE80;
	v3 =	vperm.xlane v3, v2  }
0x26: {  	[tilespmem:s0], [sflag:$0x1] =	stream.indirect_vreg.gather [hbm4b:s5+s3], $0x80, v4, vm0, $0xb8;
	[tilespmem:$0x14680] =	vst v63  }
0x27: {  	v3 =	vadd.s32 v1, v3;
	s0 =	simm.s32 $0x1680  }
0x28: {  	[tilespmem:s0], [sflag:$0x1] =	stream.indirect_vreg.gather [hbm4b:s6+s3], $0x80, v4, vm0, $0xb8;
	[tilespmem:$0x14680] =	vst v63  }
0x29: {  	s0 =	simm.s32 $0x1E80  }
0x2a: {  	[tilespmem:s0], [sflag:$0x1] =	stream.indirect_vreg.gather [hbm4b:s7+s3], $0x80, v4, vm0, $0xb8;
	[tilespmem:$0x14680] =	vst v63  }
0x2b: {  	s0 =	simm.s32 $0x2680  }
0x2c: {  	[tilespmem:s0], [sflag:$0x1] =	stream.indirect_vreg.gather [hbm4b:s2+s3], $0x80, v3, vm0, $0xb8;
	[tilespmem:$0x14680] =	vst v63  }
0x2d: {  	s0 =	simm.s32 $0x2E80  }
0x2e: {  	[tilespmem:s0], [sflag:$0x1] =	stream.indirect_vreg.gather [hbm4b:s5+s3], $0x80, v3, vm0, $0xb8;
	[tilespmem:$0x14680] =	vst v63  }
0x2f: {  	s0 =	simm.s32 $0x3680  }
0x30: {  	[tilespmem:s0], [sflag:$0x1] =	stream.indirect_vreg.gather [hbm4b:s6+s3], $0x80, v3, vm0, $0xb8;
	[tilespmem:$0x14680] =	vst v63  }
0x31: {  	s0 =	simm.s32 $0x3E80  }
0x32: {  	[tilespmem:s0], [sflag:$0x1] =	stream.indirect_vreg.gather [hbm4b:s7+s3], $0x80, v3, vm0, $0xb8;
	[tilespmem:$0x14680] =	vst v63  }
0x33: {  	v3 =	vld [tilespmem:$0x10];
	_ =	sdelay $0x4  }
0x34: {  	v62 =	vshll.u32 v3, $0x3  }
0x35: {  	v3 =	vand.u32 $0x7, v3;
	v4 =	vand.u32 $0xFFFFFFC0, v62  }
0x36: {  	v3 =	vor.u32 v3, v4  }
0x37: {  	v4 =	vperm.xlane v3, v0;
	_ =	sdelay $0x1  }
0x38: {  	v4 =	vadd.s32 v1, v4;
	_ =	sdelay $0x3  }
0x39: {  	s0 =	simm.s32 $0x4680  }
0x3a: {  	[tilespmem:s0], [sflag:$0x1] =	stream.indirect_vreg.gather [hbm4b:s2+s3], $0x80, v4, vm0, $0xb8;
	[tilespmem:$0x14680] =	vst v63  }
0x3b: {  	v3 =	vperm.xlane v3, v2;
	s0 =	simm.s32 $0x4E80  }
0x3c: {  	[tilespmem:s0], [sflag:$0x1] =	stream.indirect_vreg.gather [hbm4b:s5+s3], $0x80, v4, vm0, $0xb8;
	[tilespmem:$0x14680] =	vst v63  }
0x3d: {  	v3 =	vadd.s32 v1, v3;
	s0 =	simm.s32 $0x5680  }
0x3e: {  	[tilespmem:s0], [sflag:$0x1] =	stream.indirect_vreg.gather [hbm4b:s6+s3], $0x80, v4, vm0, $0xb8;
	[tilespmem:$0x14680] =	vst v63  }
0x3f: {  	s0 =	simm.s32 $0x5E80  }
0x40: {  	[tilespmem:s0], [sflag:$0x1] =	stream.indirect_vreg.gather [hbm4b:s7+s3], $0x80, v4, vm0, $0xb8;
	[tilespmem:$0x14680] =	vst v63  }
0x41: {  	s0 =	simm.s32 $0x6680  }
0x42: {  	[tilespmem:s0], [sflag:$0x1] =	stream.indirect_vreg.gather [hbm4b:s2+s3], $0x80, v3, vm0, $0xb8;
	[tilespmem:$0x14680] =	vst v63  }
0x43: {  	s0 =	simm.s32 $0x6E80  }
0x44: {  	[tilespmem:s0], [sflag:$0x1] =	stream.indirect_vreg.gather [hbm4b:s5+s3], $0x80, v3, vm0, $0xb8;
	[tilespmem:$0x14680] =	vst v63  }
0x45: {  	s0 =	simm.s32 $0x7680  }
0x46: {  	[tilespmem:s0], [sflag:$0x1] =	stream.indirect_vreg.gather [hbm4b:s6+s3], $0x80, v3, vm0, $0xb8;
	[tilespmem:$0x14680] =	vst v63  }
0x47: {  	s0 =	simm.s32 $0x7E80  }
0x48: {  	[tilespmem:s0], [sflag:$0x1] =	stream.indirect_vreg.gather [hbm4b:s7+s3], $0x80, v3, vm0, $0xb8;
	[tilespmem:$0x14680] =	vst v63  }
0x49: {  	v3 =	vld.msk [tilespmem:$0x20], $0xff;
	_ =	sdelay $0x4  }
0x4a: {  	v63 =	vshll.u32 v3, $0x3  }
0x4b: {  	v3 =	vand.u32 $0x7, v3;
	v4 =	vand.u32 $0xFFFFFFC0, v63  }
0x4c: {  	v3 =	vor.u32 v3, v4  }
0x4d: {  	v3 =	vperm.xlane v3, v0;
	_ =	sdelay $0x1  }
0x4e: {  	v3 =	vadd.s32 v1, v3;
	_ =	sdelay $0x3  }
0x4f: {  	s0 =	simm.s32 $0x8680  }
0x50: {  	[tilespmem:s0], [sflag:$0x1] =	stream.indirect_vreg.gather [hbm4b:s2+s3], $0x80, v3, vm0, $0xb8;
	[tilespmem:$0x14680] =	vst v63  }
0x51: {  	s0 =	simm.s32 $0x8E80  }
0x52: {  	[tilespmem:s0], [sflag:$0x1] =	stream.indirect_vreg.gather [hbm4b:s5+s3], $0x80, v3, vm0, $0xb8;
	[tilespmem:$0x14680] =	vst v63  }
.Ltmp2:
0x53: {  	_ = 	snop;
	(pc) =	sbr.rel .LBB2_2-.Ltmp2, $4  }
0x54: {  	s30 =	simm.s32 $0x48;
	s0 =	simm.s32 $0x9680  }
0x55: {  	[tilespmem:s0], [sflag:$0x1] =	stream.indirect_vreg.gather [hbm4b:s6+s3], $0x80, v3, vm0, $0xb8;
	[tilespmem:$0x14680] =	vst v63  }
0x56: {  	s29 =	simm.s32 $0x0;
	s31 =	rddreg [dreg:$0x5];
	s0 =	simm.s32 $0x9E80  }
0x57: {  	[tilespmem:s0], [sflag:$0x1] =	stream.indirect_vreg.gather [hbm4b:s7+s3], $0x80, v3, vm0, $0xb8;
	[tilespmem:$0x14680] =	vst v63  }
.LBB2_6:
0x58: {  	_ =	swait.ge [sflag:s28], $0xA000  }
0x59: {  	[sflag:s28] =	ssyncset.done $0x0  }
0x5a: {  	s0 =	simm.s32 $0x3;
	[sflag:s28] =	ssyncadd.s32 $0xFFFF6000  }
0x5b: {  	[hbm4b:s31+s3] =	stream.linear.scatter [tilespmem:s1], [sflag:$0x3], $0xA000, $0x38;
	[tilespmem:$0x14680] =	vst v63  }
.LBB2_7:
0x5c: {  	s29 =	sadd.s32 $0x1, s29  }
0x5d: {  	p0 =	sne.s32 s29, $0x28  }
.Ltmp3:
0x5e: {  	_ = 	snop;
	(pc) =	sbr.rel @!p0 .LBB2_8-.Ltmp3, $4  }
0x5f: {  	_ = 	snop  }
0x60: {  	_ =	swait.ge [sflag:s0], $0xA000  }
0x61: {  	[sflag:s0] =	ssyncset.done $0x0  }
0x62: {  	s30 =	sadd.s32 $0x28, s30;
	s31 =	sadd.s32 $0x1400, s31;
	[sflag:s0] =	ssyncadd.s32 $0xFFFF6000  }
.LBB2_2:
0x63: {  	s0 =	sand.u32 $0x1, s29  }
0x64: {  	p0 =	seq.s32 s0, $0x1  }
.Ltmp4:
0x65: {  	_ = 	snop;
	(pc) =	sbr.rel @p0 .LBB2_4-.Ltmp4, $1  }
0x66: {  	_ =	sdelay $0x3  }
0x67: {  	v3 =	vld [tilespmem:s30+$0xFFFFFFE0];
	_ =	sdelay $0x4  }
0x68: {  	v4 =	vshll.u32 v3, $0x3  }
0x69: {  	v3 =	vand.u32 $0x7, v3;
	v4 =	vand.u32 $0xFFFFFFC0, v4  }
0x6a: {  	v3 =	vor.u32 v3, v4  }
0x6b: {  	v4 =	vperm.xlane v3, v0;
	_ =	sdelay $0x1  }
0x6c: {  	v4 =	vadd.s32 v1, v4;
	_ =	sdelay $0x4  }
0x6d: {  	[tilespmem:s1], [sflag:$0x2] =	stream.indirect_vreg.gather [hbm4b:s2+s3], $0x80, v4, vm0, $0xb8;
	[tilespmem:$0x14680] =	vst v63  }
0x6e: {  	s0 =	simm.s32 $0xAE80;
	v3 =	vperm.xlane v3, v2  }
0x6f: {  	[tilespmem:s0], [sflag:$0x2] =	stream.indirect_vreg.gather [hbm4b:s5+s3], $0x80, v4, vm0, $0xb8;
	[tilespmem:$0x14680] =	vst v63  }
0x70: {  	v3 =	vadd.s32 v1, v3  }
0x71: {  	[tilespmem:s4], [sflag:$0x2] =	stream.indirect_vreg.gather [hbm4b:s6+s3], $0x80, v4, vm0, $0xb8;
	[tilespmem:$0x14680] =	vst v63  }
0x72: {  	_ = 	snop  }
0x73: {  	[tilespmem:s8], [sflag:$0x2] =	stream.indirect_vreg.gather [hbm4b:s7+s3], $0x80, v4, vm0, $0xb8;
	[tilespmem:$0x14680] =	vst v63  }
0x74: {  	_ = 	snop  }
0x75: {  	[tilespmem:s9], [sflag:$0x2] =	stream.indirect_vreg.gather [hbm4b:s2+s3], $0x80, v3, vm0, $0xb8;
	[tilespmem:$0x14680] =	vst v63  }
0x76: {  	_ = 	snop  }
0x77: {  	[tilespmem:s10], [sflag:$0x2] =	stream.indirect_vreg.gather [hbm4b:s5+s3], $0x80, v3, vm0, $0xb8;
	[tilespmem:$0x14680] =	vst v63  }
0x78: {  	_ = 	snop  }
0x79: {  	[tilespmem:s12], [sflag:$0x2] =	stream.indirect_vreg.gather [hbm4b:s6+s3], $0x80, v3, vm0, $0xb8;
	[tilespmem:$0x14680] =	vst v63  }
0x7a: {  	_ = 	snop  }
0x7b: {  	[tilespmem:s13], [sflag:$0x2] =	stream.indirect_vreg.gather [hbm4b:s7+s3], $0x80, v3, vm0, $0xb8;
	[tilespmem:$0x14680] =	vst v63  }
0x7c: {  	v3 =	vld [tilespmem:s30+$0xFFFFFFF0];
	_ =	sdelay $0x4  }
0x7d: {  	v62 =	vshll.u32 v3, $0x3  }
0x7e: {  	v3 =	vand.u32 $0x7, v3;
	v4 =	vand.u32 $0xFFFFFFC0, v62  }
0x7f: {  	v3 =	vor.u32 v3, v4  }
0x80: {  	v4 =	vperm.xlane v3, v0;
	_ =	sdelay $0x1  }
0x81: {  	v4 =	vadd.s32 v1, v4;
	_ =	sdelay $0x4  }
0x82: {  	[tilespmem:s14], [sflag:$0x2] =	stream.indirect_vreg.gather [hbm4b:s2+s3], $0x80, v4, vm0, $0xb8;
	[tilespmem:$0x14680] =	vst v63  }
0x83: {  	v3 =	vperm.xlane v3, v2  }
0x84: {  	[tilespmem:s15], [sflag:$0x2] =	stream.indirect_vreg.gather [hbm4b:s5+s3], $0x80, v4, vm0, $0xb8;
	[tilespmem:$0x14680] =	vst v63  }
0x85: {  	v3 =	vadd.s32 v1, v3  }
0x86: {  	[tilespmem:s16], [sflag:$0x2] =	stream.indirect_vreg.gather [hbm4b:s6+s3], $0x80, v4, vm0, $0xb8;
	[tilespmem:$0x14680] =	vst v63  }
0x87: {  	_ = 	snop  }
0x88: {  	[tilespmem:s17], [sflag:$0x2] =	stream.indirect_vreg.gather [hbm4b:s7+s3], $0x80, v4, vm0, $0xb8;
	[tilespmem:$0x14680] =	vst v63  }
0x89: {  	_ = 	snop  }
0x8a: {  	[tilespmem:s18], [sflag:$0x2] =	stream.indirect_vreg.gather [hbm4b:s2+s3], $0x80, v3, vm0, $0xb8;
	[tilespmem:$0x14680] =	vst v63  }
0x8b: {  	_ = 	snop  }
0x8c: {  	[tilespmem:s19], [sflag:$0x2] =	stream.indirect_vreg.gather [hbm4b:s5+s3], $0x80, v3, vm0, $0xb8;
	[tilespmem:$0x14680] =	vst v63  }
0x8d: {  	_ = 	snop  }
0x8e: {  	[tilespmem:s20], [sflag:$0x2] =	stream.indirect_vreg.gather [hbm4b:s6+s3], $0x80, v3, vm0, $0xb8;
	[tilespmem:$0x14680] =	vst v63  }
0x8f: {  	_ = 	snop  }
0x90: {  	[tilespmem:s21], [sflag:$0x2] =	stream.indirect_vreg.gather [hbm4b:s7+s3], $0x80, v3, vm0, $0xb8;
	[tilespmem:$0x14680] =	vst v63  }
0x91: {  	v3 =	vld.msk [tilespmem:s30+$0x0], $0xff;
	_ =	sdelay $0x4  }
0x92: {  	v63 =	vshll.u32 v3, $0x3  }
0x93: {  	v3 =	vand.u32 $0x7, v3;
	v4 =	vand.u32 $0xFFFFFFC0, v63  }
0x94: {  	v3 =	vor.u32 v3, v4  }
0x95: {  	v3 =	vperm.xlane v3, v0;
	_ =	sdelay $0x1  }
0x96: {  	v3 =	vadd.s32 v1, v3;
	_ =	sdelay $0x4  }
0x97: {  	[tilespmem:s22], [sflag:$0x2] =	stream.indirect_vreg.gather [hbm4b:s2+s3], $0x80, v3, vm0, $0xb8;
	[tilespmem:$0x14680] =	vst v63  }
0x98: {  	_ = 	snop  }
0x99: {  	[tilespmem:s23], [sflag:$0x2] =	stream.indirect_vreg.gather [hbm4b:s5+s3], $0x80, v3, vm0, $0xb8;
	[tilespmem:$0x14680] =	vst v63  }
0x9a: {  	_ = 	snop  }
0x9b: {  	[tilespmem:s24], [sflag:$0x2] =	stream.indirect_vreg.gather [hbm4b:s6+s3], $0x80, v3, vm0, $0xb8;
	[tilespmem:$0x14680] =	vst v63  }
0x9c: {  	_ = 	snop  }
0x9d: {  	[tilespmem:s25], [sflag:$0x2] =	stream.indirect_vreg.gather [hbm4b:s7+s3], $0x80, v3, vm0, $0xb8;
	[tilespmem:$0x14680] =	vst v63  }
.Ltmp5:
0x9e: {  	_ = 	snop;
	(pc) =	sbr.rel .LBB2_7-.Ltmp5, $4  }
0x9f: {  	_ =	swait.ge [sflag:s26], $0xA000  }
0xa0: {  	[sflag:s26] =	ssyncset.done $0x0  }
0xa1: {  	s0 =	simm.s32 $0x4;
	[sflag:s26] =	ssyncadd.s32 $0xFFFF6000  }
0xa2: {  	[hbm4b:s31+s3] =	stream.linear.scatter [tilespmem:s11], [sflag:$0x4], $0xA000, $0x38;
	[tilespmem:$0x14680] =	vst v63  }
.LBB2_4:
0xa3: {  	p0 =	seq.s32 s29, $0x27  }
.Ltmp6:
0xa4: {  	_ = 	snop;
	(pc) =	sbr.rel @p0 .LBB2_6-.Ltmp6, $1  }
0xa5: {  	_ =	sdelay $0x3  }
0xa6: {  	v3 =	vld [tilespmem:s30+$0xFFFFFFE0];
	_ =	sdelay $0x4  }
0xa7: {  	v4 =	vshll.u32 v3, $0x3  }
0xa8: {  	v3 =	vand.u32 $0x7, v3;
	v4 =	vand.u32 $0xFFFFFFC0, v4  }
0xa9: {  	v3 =	vor.u32 v3, v4  }
0xaa: {  	v4 =	vperm.xlane v3, v0;
	_ =	sdelay $0x1  }
0xab: {  	v4 =	vadd.s32 v1, v4;
	_ =	sdelay $0x4  }
0xac: {  	[tilespmem:s11], [sflag:$0x1] =	stream.indirect_vreg.gather [hbm4b:s2+s3], $0x80, v4, vm0, $0xb8;
	[tilespmem:$0x14680] =	vst v63  }
0xad: {  	s0 =	simm.s32 $0xE80;
	v3 =	vperm.xlane v3, v2  }
0xae: {  	[tilespmem:s0], [sflag:$0x1] =	stream.indirect_vreg.gather [hbm4b:s5+s3], $0x80, v4, vm0, $0xb8;
	[tilespmem:$0x14680] =	vst v63  }
0xaf: {  	v3 =	vadd.s32 v1, v3;
	s0 =	simm.s32 $0x1680  }
0xb0: {  	[tilespmem:s0], [sflag:$0x1] =	stream.indirect_vreg.gather [hbm4b:s6+s3], $0x80, v4, vm0, $0xb8;
	[tilespmem:$0x14680] =	vst v63  }
0xb1: {  	s0 =	simm.s32 $0x1E80  }
0xb2: {  	[tilespmem:s0], [sflag:$0x1] =	stream.indirect_vreg.gather [hbm4b:s7+s3], $0x80, v4, vm0, $0xb8;
	[tilespmem:$0x14680] =	vst v63  }
0xb3: {  	s0 =	simm.s32 $0x2680  }
0xb4: {  	[tilespmem:s0], [sflag:$0x1] =	stream.indirect_vreg.gather [hbm4b:s2+s3], $0x80, v3, vm0, $0xb8;
	[tilespmem:$0x14680] =	vst v63  }
0xb5: {  	s0 =	simm.s32 $0x2E80  }
0xb6: {  	[tilespmem:s0], [sflag:$0x1] =	stream.indirect_vreg.gather [hbm4b:s5+s3], $0x80, v3, vm0, $0xb8;
	[tilespmem:$0x14680] =	vst v63  }
0xb7: {  	s0 =	simm.s32 $0x3680  }
0xb8: {  	[tilespmem:s0], [sflag:$0x1] =	stream.indirect_vreg.gather [hbm4b:s6+s3], $0x80, v3, vm0, $0xb8;
	[tilespmem:$0x14680] =	vst v63  }
0xb9: {  	s0 =	simm.s32 $0x3E80  }
0xba: {  	[tilespmem:s0], [sflag:$0x1] =	stream.indirect_vreg.gather [hbm4b:s7+s3], $0x80, v3, vm0, $0xb8;
	[tilespmem:$0x14680] =	vst v63  }
0xbb: {  	v3 =	vld [tilespmem:s30+$0xFFFFFFF0];
	_ =	sdelay $0x4  }
0xbc: {  	v62 =	vshll.u32 v3, $0x3  }
0xbd: {  	v3 =	vand.u32 $0x7, v3;
	v4 =	vand.u32 $0xFFFFFFC0, v62  }
0xbe: {  	v3 =	vor.u32 v3, v4  }
0xbf: {  	v4 =	vperm.xlane v3, v0;
	_ =	sdelay $0x1  }
0xc0: {  	v4 =	vadd.s32 v1, v4;
	_ =	sdelay $0x3  }
0xc1: {  	s0 =	simm.s32 $0x4680  }
0xc2: {  	[tilespmem:s0], [sflag:$0x1] =	stream.indirect_vreg.gather [hbm4b:s2+s3], $0x80, v4, vm0, $0xb8;
	[tilespmem:$0x14680] =	vst v63  }
0xc3: {  	v3 =	vperm.xlane v3, v2;
	s0 =	simm.s32 $0x4E80  }
0xc4: {  	[tilespmem:s0], [sflag:$0x1] =	stream.indirect_vreg.gather [hbm4b:s5+s3], $0x80, v4, vm0, $0xb8;
	[tilespmem:$0x14680] =	vst v63  }
0xc5: {  	v3 =	vadd.s32 v1, v3;
	s0 =	simm.s32 $0x5680  }
0xc6: {  	[tilespmem:s0], [sflag:$0x1] =	stream.indirect_vreg.gather [hbm4b:s6+s3], $0x80, v4, vm0, $0xb8;
	[tilespmem:$0x14680] =	vst v63  }
0xc7: {  	s0 =	simm.s32 $0x5E80  }
0xc8: {  	[tilespmem:s0], [sflag:$0x1] =	stream.indirect_vreg.gather [hbm4b:s7+s3], $0x80, v4, vm0, $0xb8;
	[tilespmem:$0x14680] =	vst v63  }
0xc9: {  	s0 =	simm.s32 $0x6680  }
0xca: {  	[tilespmem:s0], [sflag:$0x1] =	stream.indirect_vreg.gather [hbm4b:s2+s3], $0x80, v3, vm0, $0xb8;
	[tilespmem:$0x14680] =	vst v63  }
0xcb: {  	s0 =	simm.s32 $0x6E80  }
0xcc: {  	[tilespmem:s0], [sflag:$0x1] =	stream.indirect_vreg.gather [hbm4b:s5+s3], $0x80, v3, vm0, $0xb8;
	[tilespmem:$0x14680] =	vst v63  }
0xcd: {  	s0 =	simm.s32 $0x7680  }
0xce: {  	[tilespmem:s0], [sflag:$0x1] =	stream.indirect_vreg.gather [hbm4b:s6+s3], $0x80, v3, vm0, $0xb8;
	[tilespmem:$0x14680] =	vst v63  }
0xcf: {  	s0 =	simm.s32 $0x7E80  }
0xd0: {  	[tilespmem:s0], [sflag:$0x1] =	stream.indirect_vreg.gather [hbm4b:s7+s3], $0x80, v3, vm0, $0xb8;
	[tilespmem:$0x14680] =	vst v63  }
0xd1: {  	v3 =	vld.msk [tilespmem:s30+$0x0], $0xff;
	_ =	sdelay $0x4  }
0xd2: {  	v63 =	vshll.u32 v3, $0x3  }
0xd3: {  	v3 =	vand.u32 $0x7, v3;
	v4 =	vand.u32 $0xFFFFFFC0, v63  }
0xd4: {  	v3 =	vor.u32 v3, v4  }
0xd5: {  	v3 =	vperm.xlane v3, v0;
	_ =	sdelay $0x1  }
0xd6: {  	v3 =	vadd.s32 v1, v3;
	_ =	sdelay $0x3  }
0xd7: {  	s0 =	simm.s32 $0x8680  }
0xd8: {  	[tilespmem:s0], [sflag:$0x1] =	stream.indirect_vreg.gather [hbm4b:s2+s3], $0x80, v3, vm0, $0xb8;
	[tilespmem:$0x14680] =	vst v63  }
0xd9: {  	s0 =	simm.s32 $0x8E80  }
0xda: {  	[tilespmem:s0], [sflag:$0x1] =	stream.indirect_vreg.gather [hbm4b:s5+s3], $0x80, v3, vm0, $0xb8;
	[tilespmem:$0x14680] =	vst v63  }
.Ltmp7:
0xdb: {  	_ = 	snop;
	(pc) =	sbr.rel .LBB2_6-.Ltmp7, $4  }
0xdc: {  	s0 =	simm.s32 $0x9680  }
0xdd: {  	[tilespmem:s0], [sflag:$0x1] =	stream.indirect_vreg.gather [hbm4b:s6+s3], $0x80, v3, vm0, $0xb8;
	[tilespmem:$0x14680] =	vst v63  }
0xde: {  	s0 =	simm.s32 $0x9E80  }
0xdf: {  	[tilespmem:s0], [sflag:$0x1] =	stream.indirect_vreg.gather [hbm4b:s7+s3], $0x80, v3, vm0, $0xb8;
	[tilespmem:$0x14680] =	vst v63  }
.LBB2_9:
0xe0: {  	_ =	sfence.sel $0x180000  }
0xe1: {  	[bflag:$0x0] =	sbarrier.arrive $0xFFFF  }
0xe2: {  	_ =	strace $0x90000047  }
0xe3: {  	s0 =	stileid.u32;
	[bflag:$0x2] =	sbarrier.arrive $0xFFFF  }
0xe4: {  	p0 =	sne.s32 s0, $0x0;
	s0 =	rddreg [dreg:$0x2]  }
0xe5: {  	s0 =	sadd.s32 @!p0 $0x100000, s0  }
0xe6: {  	[sflag:s0] =	ssyncadd.tile.s32 @!p0 $0x1;
	_ =	shalt  }
.Lfunc_end2:
_tile_overlayer_lowered:
.L_overlay_start_2:
0xe7: {  	(tag) =	ssettag $0x2  }
0xe8: {  	s0 =	rddreg [dreg:$0x0];
	s2 =	stileid.u32  }
0xe9: {  	s1 =	rddreg [dreg:$0x1];
	p0 =	sne.s32 s2, $0x0  }
0xea: {  	s3 =	rddreg [dreg:$0x2];
	[bflag:$0x3] =	sbarrier.arrive $0xFFFF;
	s2 =	simm.s32 @!p0 $0x1C03  }
0xeb: {  	[timem:s3], [sflag:s2] =	dma.local @!p0 [hbm:s0], s1  }
0xec: {  	s0 =	simm.s32 @!p0 $0x3  }
0xed: {  	_ =	swait.ge @!p0 [sflag:s0], s1  }
0xee: {  	s1 =	ssub.s32 @!p0 $0x0, s1;
	[sflag:s0] =	ssyncset.done @!p0 $0x0  }
0xef: {  	[sflag:s0] =	ssyncadd.s32 @!p0 s1  }
0xf0: {  	[bflag:$0x3] =	sbarrier.arrive $0xFFFF  }
0xf1: {  	_ =	shalt  }

</sc_bundles>
